<compile_context>
chip_gen: v7x
topology: tpu7x:2x2x1
jax: 0.10.2.dev20260603
libtpu: 0.0.44.dev20260713+nightly
codegen_flags: <defaults>
</compile_context>

<pallas_src>
import jax
import jax.numpy as jnp
from jax.experimental import pallas as pl

_NUM_CENTROID = 8
_FEAT = 128 * 768
_ROWS = 256
_ROW_BLK = 8


def _body(x_ref, c_ref, o_ref):
    x = x_ref[...]
    c = c_ref[...]
    dots = jax.lax.dot_general(
        x, c, (((1,), (1,)), ((), ())),
        preferred_element_type=jnp.float32)
    c2 = jnp.sum(c * c, axis=1)
    score = c2[None, :] - 2.0 * dots
    o_ref[...] = jnp.argmin(score, axis=1).astype(jnp.int32)[:, None]


def kernel(input, centroid):
    x = input.reshape(_ROWS, _FEAT)
    grid = (_ROWS // _ROW_BLK,)
    out = pl.pallas_call(
        _body,
        grid=grid,
        in_specs=[
            pl.BlockSpec((_ROW_BLK, _FEAT), lambda i: (i, 0)),
            pl.BlockSpec((_NUM_CENTROID, _FEAT), lambda i: (0, 0)),
        ],
        out_specs=pl.BlockSpec((_ROW_BLK, 1), lambda i: (i, 0)),
        out_shape=jax.ShapeDtypeStruct((_ROWS, 1), jnp.int32),
    )(x, centroid)
    return out.reshape(_ROWS)

# --- scband reference (transcript-rebuilt; emitter-appended) ---
"""Pipeline reference for scband-kmean-memory-25177098289570 (READ-ONLY COPY).

The authoritative reference and input builder live on the scoring server;
editing this copy changes nothing except your own understanding.
"""

import jax, jax.numpy as jnp
import numpy as np

NUM_CENTROID = 8
HIDDEN = 768
MAX_SEQ = 128
FEAT = MAX_SEQ * HIDDEN

def setup_inputs(seed: int = 0) -> dict:
    key = jax.random.key(seed)
    k1, k2 = jax.random.split(key)
    x = jax.random.normal(k1, (256, MAX_SEQ, HIDDEN), dtype=jnp.float32)
    # centroid table initialized like torch.normal(0.07, 0.39, size=(8, FEAT))
    centroid = 0.07 + 0.39 * jax.random.normal(k2, (NUM_CENTROID, FEAT), dtype=jnp.float32)
    return {"input": x, "centroid": centroid}

def _cdist(a, b):
    # euclidean pairwise distance, faithful to torch.cdist
    a2 = jnp.sum(a * a, axis=1, keepdims=True)           # [N, 1]
    b2 = jnp.sum(b * b, axis=1, keepdims=True).T          # [1, K]
    d2 = a2 + b2 - 2.0 * (a @ b.T)
    return jnp.sqrt(jnp.maximum(d2, 0.0))

def reference(input, centroid):
    # predict path: centroid.weight.requires_grad is False for Embedding.from_pretrained
    new_input = input.reshape(-1, FEAT)                   # [256, 98304]
    dis = _cdist(new_input, centroid)                     # [256, 8]
    prediction = jnp.argmin(dis, axis=1)                  # [256]
    return prediction

if __name__ == "__main__":
    import jax
    _d = setup_inputs()
    print(jax.jit(kernel)(*tuple(_d.values())))

</pallas_src>

<mosaic_0001>
module attributes {stable_mosaic.version = 14 : i64} {
  func.func @_body(%arg0: i32, %arg1: memref<8x98304xf32, #tpu.memory_space<vmem>>, %arg2: memref<8x98304xf32, #tpu.memory_space<vmem>>, %arg3: memref<8x1xi32, #tpu.memory_space<vmem>>) attributes {dimension_semantics = [#tpu.dimension_semantics<arbitrary>], iteration_bounds = array<i64: 32>, scalar_prefetch = 0 : i64, scratch_operands = 0 : i64, tpu.core_type = #tpu.core_type<tc>, window_params = [{transform_indices = @transform_0, window_bounds = array<i64: 8, 98304>}, {pipeline_mode = #tpu.pipeline_mode<synchronous>, transform_indices = @transform_1, window_bounds = array<i64: 8, 98304>}, {transform_indices = @transform_2, window_bounds = array<i64: 8, 1>}]} {
    %get3A = arith.constant 0 : index
    %get3A_0 = arith.constant 0 : index
    %get3A_1 = vector.load %arg1[%get3A, %get3A_0] : memref<8x98304xf32, #tpu.memory_space<vmem>>, vector<8x98304xf32>
    %get3A_2 = arith.constant 0 : index
    %get3A_3 = arith.constant 0 : index
    %get3A_4 = vector.load %arg2[%get3A_2, %get3A_3] : memref<8x98304xf32, #tpu.memory_space<vmem>>, vector<8x98304xf32>
    %dot_general3A = arith.constant dense<0.000000e+00> : vector<8x8xf32>
    %dot_general3A_5 = tpu.matmul %get3A_1, %get3A_4, %dot_general3A {dimension_numbers = #tpu.dot_dimension_numbers<[1], [1], [0], [0], [0, 0, 1, 0], [], []>, transpose_lhs_hint = false} : vector<8x98304xf32>, vector<8x98304xf32>, vector<8x8xf32> -> vector<8x8xf32>
    %mul3A = arith.mulf %get3A_4, %get3A_4 : vector<8x98304xf32>
    %reduce_sum3A = arith.constant dense<0.000000e+00> : vector<8xf32>
    %reduce_sum3A_6 = vector.multi_reduction <add>, %mul3A, %reduce_sum3A [1] : vector<8x98304xf32> to vector<8xf32>
    %broadcast_in_dim3A = vector.shape_cast %reduce_sum3A_6 : vector<8xf32> to vector<1x8xf32>
    %mul3A_7 = arith.constant 2.000000e+00 : f32
    %mul3A_8 = vector.broadcast %mul3A_7 : f32 to vector<8x8xf32>
    %mul3A_9 = arith.mulf %mul3A_8, %dot_general3A_5 : vector<8x8xf32>
    %sub3A = vector.broadcast %broadcast_in_dim3A : vector<1x8xf32> to vector<8x8xf32>
    %sub3A_10 = arith.subf %sub3A, %mul3A_9 : vector<8x8xf32>
    %argmin3A = tpu.reduce_index %sub3A_10 {axis = 1 : i32, kind = #tpu.reduction_kind<arg_min>} : vector<8x8xf32> -> vector<8xi32>
    %broadcast_in_dim3A_11 = vector.shape_cast %argmin3A : vector<8xi32> to vector<8x1xi32>
    %swap3A = arith.constant 0 : index
    %swap3A_12 = arith.constant 0 : index
    %swap3A_13 = vector.load %arg3[%swap3A, %swap3A_12] : memref<8x1xi32, #tpu.memory_space<vmem>>, vector<8x1xi32>
    tpu.vector_store %arg3[%swap3A, %swap3A_12], %broadcast_in_dim3A_11 {strides = array<i32>} : memref<8x1xi32, #tpu.memory_space<vmem>>, vector<8x1xi32>,
    return
  }
  func.func @transform_0(%arg0: i32) -> (i32, i32) {
    %c0_i32 = arith.constant 0 : i32
    %c0_i32_0 = arith.constant 0 : i32
    return %arg0, %c0_i32 : i32, i32
  }
  func.func @transform_1(%arg0: i32) -> (i32, i32) {
    %c0_i32 = arith.constant 0 : i32
    %c0_i32_0 = arith.constant 0 : i32
    %c0_i32_1 = arith.constant 0 : i32
    return %c0_i32, %c0_i32_0 : i32, i32
  }
  func.func @transform_2(%arg0: i32) -> (i32, i32) {
    %c0_i32 = arith.constant 0 : i32
    %c0_i32_0 = arith.constant 0 : i32
    return %arg0, %c0_i32 : i32, i32
  }
}

</mosaic_0001>

<sc_bundles>
// kernel: sparse-core-data-format-call.cloned.1.call-start
scs
called_computation_lowered:
.L_overlay_start_0:
0x0: {  	s2 =	sld [smem:$0x3FD9]  }
0x1: {  	s3 =	sld [smem:$0x3FFE];
	_ =	sdelay $0x1  }
0x2: {  	s1 =	srdreg.scid  }
0x3: {  	s0 =	sand.u32 $0x1, s1  }
0x4: {  	s18 =	sshll.u32 s0, $0xA;
	s2 =	sadd.s32 s3, s2  }
0x5: {  	s2 =	sadd.s32 s2, s18  }
0x6: {  	[smem:$0x3FC6] =	sst s2  }
0x7: {  	_ = 	snop  }
0x8: {  	s2 =	sld [smem:$0x3FC9];
	(tm) =	ssettm $0x1  }
0x9: {  	s19 =	sld [smem:$0x3FFB];
	_ =	sdelay $0x3  }
0xa: {  	_ =	strace s19  }
0xb: {  	s3 =	sld [smem:$0x3FFC];
	_ =	sdelay $0x3  }
0xc: {  	_ =	strace s3  }
0xd: {  	s3 =	sld [smem:$0x3FFD];
	_ =	sdelay $0x3  }
0xe: {  	_ =	strace s3  }
0xf: {  	_ =	strace $0x8FFFFFFF  }
0x10: {  	s20 =	sld [smem:$0x3FDB];
	_ =	sdelay $0x1  }
0x11: {  	s4 =	simm.s32 $_scs_section_size  }
0x12: {  	s5 =	simm.s32 $_size__tile_overlayer_lowered;
	s6 =	simm.s32 $_tile_overlayer_lowered  }
0x13: {  	s23 =	simm.s32 $0x1BFF;
	s22 =	sshll.u32 s6, $0x1;
	s3 =	sadd.s32 s4, s20  }
0x14: {  	s7 =	simm.s32 $0x0;
	s21 =	sshll.u32 s5, $0x1;
	s5 =	sadd.s32 s22, s3  }
0x15: {  	[timem:s7], [sflag:s23] =	dma.local [hbm:s5], s21  }
0x16: {  	_ =	swait.ge [sflag:s23], s21  }
0x17: {  	s4 =	ssub.s32 $0x0, s21;
	[sflag:s23] =	ssyncset.done $0x0  }
0x18: {  	[sflag:s23] =	ssyncadd.s32 s4;
	_ =	sdelay $0x1  }
0x19: {  	s24 =	simm.s32 $0x1B8B  }
0x1a: {  	_ =	swait.ge [sflag:s24], $0x1  }
0x1b: {  	[sflag:s24] =	ssyncset.done $0x0  }
0x1c: {  	s26 =	simm.s32 $0x1B8E;
	s25 =	sld [smem:$0x3FFE];
	[sflag:s24] =	ssyncadd.s32 $0xFFFFFFFF  }
0x1d: {  	s27 =	simm.s32 $execute0_lowered;
	[smem:$0x3FD2] =	sst s26  }
0x1e: {  	s5 =	sshll.u32 s27, $0x1;
	_ =	strace $0x80000046;
	[dreg:$0x1] =	wrdreg $0xFFFFFFFF  }
0x1f: {  	s28 =	simm.s32 $_size_execute0_lowered;
	s3 =	sadd.s32 s3, s5;
	[dreg:$0x0] =	wrdreg $0x0  }
0x20: {  	s5 =	sshll.u32 s28, $0x1;
	[dreg:$0x2] =	wrdreg s3  }
0x21: {  	[dreg:$0x3] =	wrdreg s5  }
0x22: {  	[dreg:$0x4] =	wrdreg $0xC0  }
0x23: {  	_ =	task [dreg:s7], $0x5FFFF  }
0x24: {  	[dreg:$0x1] =	wrdreg $0xFFFFFFFF  }
0x25: {  	[dreg:$0x0] =	wrdreg $0x60  }
0x26: {  	[dreg:$0x2] =	wrdreg s2  }
0x27: {  	[dreg:$0x3] =	wrdreg s25  }
0x28: {  	[dreg:$0x4] =	wrdreg $0x9  }
0x29: {  	_ =	task.clear_ibuf [dreg:s7], $0x5FFFF;
	_ =	strace $0x90000046  }
0x2a: {  	s29 =	simm.s32 $0x9;
	_ =	strace $0x80000048  }
0x2b: {  	_ =	swait.ge [sflag:s29], $0x1  }
0x2c: {  	[sflag:s29] =	ssyncadd.s32 $0xFFFFFFFF  }
0x2d: {  	_ =	strace $0x90000048  }
0x2e: {  	_ =	sfence  }
0x2f: {  	s30 =	sld [smem:$0x0];
	_ =	sdelay $0x2  }
0x30: {  	s31 =	sshll.u32 s1, $0xD;
	s1 =	sshrl.u32 s1, $0x2  }
0x31: {  	s3 =	sand.u32 $0x4000, s31;
	s1 =	sadd.s32 s1, s30  }
0x32: {  	s0 =	sor.u32 s3, s0;
	s1 =	sshll.u32 s1, $0x11  }
0x33: {  	s0 =	sor.u32 s1, s0  }
0x34: {  	s0 =	sadd.s32 $0x8F2B, s0  }
0x35: {  	[sflag:s0] =	ssyncadd.remote.s32 $0x1  }
0x36: {  	_ =	sfence.sel $0xFFFF  }
0x37: {  	[dreg:$0x0] =	wrdreg $0xFFFFFFFF;
	(pc) =	sbr.abs _section_cstart, $3  }
0x38: {  	[dreg:$0x1] =	wrdreg $0xFFFFFFFF  }
0x39: {  	_ =	task.clear_ibuf [dreg:s7], $0x2FFFF;
	_ =	strace $0x9FFFFFFF  }
0x3a: {  	(tm) =	ssettm $0x7FFFFFFF  }
0x3b: {  	_ =	shalt  }
tec
execute0_lowered:
.L_overlay_start_1:
0x0: {  	(tag) =	ssettag $0x1  }
0x1: {  	s2 =	rddreg [dreg:$0x0]  }
0x2: {  	s1 =	rddreg [dreg:$0x1]  }
0x3: {  	s0 =	rddreg [dreg:$0x2];
	_ =	strace $0x80000047;
	s4 =	srdreg.scid  }
0x4: {  	s6 =	simm.s32 $0x2;
	s14 =	simm.s32 $0x0;
	p0 =	por $0x0, $0x0  }
0x5: {  	s12 =	simm.s32 $0x0;
	s15 =	simm.s32 $0x0;
	s13 =	simm.s32 $0x0  }
.Ltmp0:
0x6: {  	s8 =	simm.s32 $0x0;
	s9 =	simm.s32 $0x0;
	(pc) =	sbr.rel .LBB1_1-.Ltmp0, $4  }
0x7: {  	s10 =	simm.s32 $0x0;
	s3 =	sadd.s32 $0x200, s1;
	s5 =	sshll.u32 s4, $0x4  }
0x8: {  	s1 =	stileid.u32;
	s4 =	simm.s32 $0x1;
	s5 =	sand.u32 $0x10, s5  }
0x9: {  	s7 =	simm.s32 $0x0;
	[sflag:s4] =	ssyncpa.u1 $0x0;
	s5 =	sor.u32 s1, s5  }
0xa: {  	[sflag:s6] =	ssyncpa.u1 $0x0;
	s6 =	simm.s32 $0x1800;
	s11 =	smov.u32 s5  }
.LBB1_5:
0xb: {  	s16 =	sadd.s32 $0x80, s8  }
0xc: {  	s12 =	sadd.s32 $0x80, s9;
	s17 =	smov.u32 s9;
	p2 =	sgt.s32 s16, $0x2FF  }
0xd: {  	s17 =	smov.u32 @p2 s12  }
0xe: {  	s12 =	simm.s32 $0x1;
	p3 =	sgt.s32 s17, $0x7F  }
0xf: {  	s12 =	simm.s32 @!p3 $0x0  }
0x10: {  	s18 =	sadd.s32 s12, s10  }
0x11: {  	s19 =	smov.u32 s11;
	s12 =	sadd.s32 $0x20, s11;
	p4 =	sgt.s32 s18, $0x7  }
0x12: {  	p1 =	slt.u32 s7, $0x2;
	s19 =	smov.u32 @p4 s12  }
0x13: {  	s7 =	sadd.s32 $0x1, s7;
	s16 =	simm.s32 @p2 $0x0;
	p2 =	sgt.s32 s19, $0x1F  }
0x14: {  	s14 =	smov.u32 s8;
	s19 =	smov.u32 @p2 s5;
	p2 =	sne.s32 s7, $0x32  }
.Ltmp1:
0x15: {  	s15 =	smov.u32 s10;
	s20 =	simm.s32 @!p1 $0x2;
	(pc) =	sbr.rel @!p2 .LBB1_6-.Ltmp1, $4  }
0x16: {  	s13 =	smov.u32 s11;
	p0 =	por !p0, !p0;
	_ =	swait.ge @!p1 [sflag:s20], $0x4000  }
0x17: {  	[sflag:s20] =	ssyncset.done @!p1 $0x0;
	s8 =	smov.u32 s16;
	s17 =	simm.s32 @p3 $0x0  }
0x18: {  	[sflag:s20] =	ssyncadd.s32 @!p1 $0xFFFFC000;
	s18 =	simm.s32 @p4 $0x0;
	s12 =	smov.u32 s9  }
0x19: {  	s9 =	smov.u32 s17;
	s10 =	smov.u32 s18;
	s11 =	smov.u32 s19  }
.LBB1_1:
0x1a: {  	p1 =	sgt.u32 s7, $0x2F  }
0x1b: {  	s16 =	sshrl.u32 @!p1 s9, $0x3  }
0x1c: {  	s17 =	sshll.u32 @!p1 s8, $0x3;
	s16 =	smul.u32 @!p1 $0x1800, s16  }
0x1d: {  	s18 =	sshll.u32 @!p1 s9, $0x7;
	s17 =	sand.u32 @!p1 $0xFFFFFC00, s17  }
0x1e: {  	s16 =	sadd.s32 @!p1 s16, s17;
	s17 =	sand.u32 @!p1 $0x380, s18  }
0x1f: {  	s18 =	sand.u32 @!p1 $0x7F, s8;
	s16 =	sor.u32 @!p1 s17, s16  }
0x20: {  	s17 =	sor.u32 @!p1 s18, s16  }
0x21: {  	s18 =	smulhi.u32 @!p1 $0xAAAAAAAB, s17  }
0x22: {  	s16 =	smulhi.u32 @!p1 $0xAAAAAAAB, s16  }
0x23: {  	s20 =	smul.u32 @!p1 $0x18000, s11;
	s18 =	sshrl.u32 @!p1 s18, $0x9  }
0x24: {  	s19 =	sxor.u32 @!p1 $0xFFFFFFFF, s7;
	s16 =	sshrl.u32 @!p1 s16, $0x9;
	s18 =	smul.u32 @!p1 $0x300, s18  }
0x25: {  	s21 =	smul.u32 @!p1 $0x3000, s10;
	s19 =	sshll.u32 @!p1 s19, $0xE;
	s16 =	sand.u32 @!p1 $0x7F, s16  }
0x26: {  	s16 =	smul.u32 @!p1 $0x60, s16;
	s17 =	ssub.s32 @!p1 s17, s18;
	s18 =	sadd.s32 @!p1 s2, s20  }
0x27: {  	s19 =	sand.u32 @!p1 $0x4000, s19;
	s18 =	sadd.s32 @!p1 s21, s18;
	s20 =	sand.u32 @!p1 $0x7, s17  }
0x28: {  	s17 =	sshrl.u32 @!p1 s17, $0x3;
	s16 =	sadd.s32 @!p1 s16, s18;
	s18 =	sshll.u32 @!p1 s20, $0x12  }
0x29: {  	s16 =	sadd.s32 @!p1 s17, s16;
	s17 =	sor.u32 @!p1 $0x400, s18;
	s18 =	simm.s32 @!p1 $0x1800  }
0x2a: {  	[tilespmem:s19], [sflag:$0x1] =	stream.strided.gather @!p1 [hbm4b:s16+s17], $0x4000, s18, s17, $0x38;
	[tilespmem:$0x10000] =	vst v63  }
0x2b: {  	p1 =	seq.s32 s7, $0x0  }
0x2c: {  	p2 =	seq.s32 @!p1 s7, $0x31  }
0x2d: {  	p1 =	por p1, p2  }
.Ltmp2:
0x2e: {  	_ = 	snop;
	(pc) =	sbr.rel @p1 .LBB1_5-.Ltmp2, $1  }
0x2f: {  	_ =	sdelay $0x3  }
0x30: {  	s16 =	simm.s32 $0x1  }
0x31: {  	s16 =	simm.s32 @!p0 $0x0  }
0x32: {  	s16 =	sshll.u32 s16, $0xE  }
0x33: {  	s17 =	sor.u32 $0x40, s16  }
0x34: {  	v1 =	vmov s17;
	_ =	sdelay $0x1  }
0x35: {  	_ =	swait.ge [sflag:s4], $0x4000  }
0x36: {  	[sflag:s4] =	ssyncset.done $0x0  }
0x37: {  	s18 =	simm.s32 $0x0;
	[sflag:s4] =	ssyncadd.s32 $0xFFFFC000  }
0x38: {  	s16 =	sor.u32 $0x8070, s16;
	v6 =	vld.idx.msk [tilespmem:v1+s18+$0x30 ss:$0x1], $0xffff  }
0x39: {  	v0 =	vmov s16;
	v8 =	vld.idx.msk [tilespmem:v1+s18+$0xFFFFFFC0 ss:$0x1], $0xffff  }
0x3a: {  	v7 =	vld.idx.msk [tilespmem:v1+s18+$0xFFFFFFD0 ss:$0x1], $0xffff  }
0x3b: {  	v5 =	vld.idx.msk [tilespmem:v1+s18+$0xFFFFFFE0 ss:$0x1], $0xffff  }
0x3c: {  	v4 =	vld.idx.msk [tilespmem:v1+s18+$0xFFFFFFF0 ss:$0x1], $0xffff  }
0x3d: {  	s31 =	sshll.u32 s7, $0xE;
	v2 =	vld.idx.msk [tilespmem:v1+s18+$0x0 ss:$0x1], $0xffff  }
0x3e: {  	s16 =	sand.u32 $0x4000, s31;
	v3 =	vld.idx.msk [tilespmem:v1+s18+$0x10 ss:$0x1], $0xffff;
	[tilespmem:v0+s18+$0x0 ss:$0x1] =	vst.idx.msk $0xffff, v6  }
0x3f: {  	s19 =	simm.s32 $0x400;
	s17 =	simm.s32 $0x80;
	s16 =	sor.u32 $0x8000, s16;
	[tilespmem:v0+s18+$0xFFFFFF90 ss:$0x1] =	vst.idx.msk $0xffff, v8;
	v6 =	vld.idx.msk [tilespmem:v1+s18+$0x20 ss:$0x1], $0xffff  }
.LBB1_3:
0x40: {  	p1 =	sne.s32 s19, $0xFE00;
	v8 =	vld.idx.msk [tilespmem:v1+s17+$0x30 ss:$0x1], $0xffff;
	[tilespmem:v0+s18+$0xFFFFFFA0 ss:$0x1] =	vst.idx.msk $0xffff, v7  }
0x41: {  	v9 =	vld.idx.msk [tilespmem:v1+s17+$0xFFFFFFC0 ss:$0x1], $0xffff;
	[tilespmem:v0+s18+$0xFFFFFFB0 ss:$0x1] =	vst.idx.msk $0xffff, v5  }
0x42: {  	v7 =	vld.idx.msk [tilespmem:v1+s17+$0xFFFFFFD0 ss:$0x1], $0xffff;
	[tilespmem:v0+s18+$0xFFFFFFC0 ss:$0x1] =	vst.idx.msk $0xffff, v4  }
.Ltmp3:
0x43: {  	v5 =	vld.idx.msk [tilespmem:v1+s17+$0xFFFFFFE0 ss:$0x1], $0xffff;
	[tilespmem:v0+s18+$0xFFFFFFD0 ss:$0x1] =	vst.idx.msk $0xffff, v2;
	(pc) =	sbr.rel @p1 .LBB1_3-.Ltmp3, $4  }
0x44: {  	v4 =	vld.idx.msk [tilespmem:v1+s17+$0xFFFFFFF0 ss:$0x1], $0xffff;
	[tilespmem:v0+s18+$0xFFFFFFE0 ss:$0x1] =	vst.idx.msk $0xffff, v3  }
0x45: {  	v2 =	vld.idx.msk [tilespmem:v1+s17+$0x0 ss:$0x1], $0xffff;
	[tilespmem:v0+s18+$0xFFFFFFF0 ss:$0x1] =	vst.idx.msk $0xffff, v6;
	s18 =	smov.u32 s17  }
0x46: {  	v3 =	vld.idx.msk [tilespmem:v1+s18+$0x10 ss:$0x1], $0xffff;
	[tilespmem:v0+s18+$0x0 ss:$0x1] =	vst.idx.msk $0xffff, v8  }
0x47: {  	s17 =	sshra.s32 s19, $0x2;
	s19 =	sadd.s32 $0x200, s19;
	[tilespmem:v0+s18+$0xFFFFFF90 ss:$0x1] =	vst.idx.msk $0xffff, v9;
	v6 =	vld.idx.msk [tilespmem:v1+s18+$0x20 ss:$0x1], $0xffff  }
0x48: {  	_ =	sdelay $0x2  }
0x49: {  	s19 =	sshrl.u32 s15, $0x3  }
0x4a: {  	s20 =	sshll.u32 s14, $0x3;
	[tilespmem:v0+s18+$0xFFFFFFA0 ss:$0x1] =	vst.idx.msk $0xffff, v7;
	s19 =	smul.u32 $0x1800, s19  }
0x4b: {  	s27 =	sshll.u32 s15, $0x7;
	v56 =	vld.idx.msk [tilespmem:v1+s17+$0x30 ss:$0x1], $0xffff;
	[tilespmem:v0+s18+$0xFFFFFFB0 ss:$0x1] =	vst.idx.msk $0xffff, v5;
	s20 =	sand.u32 $0xFFFFFC00, s20  }
0x4c: {  	v57 =	vld.idx.msk [tilespmem:v1+s17+$0xFFFFFFC0 ss:$0x1], $0xffff;
	s15 =	sand.u32 $0x380, s27;
	[tilespmem:v0+s18+$0xFFFFFFC0 ss:$0x1] =	vst.idx.msk $0xffff, v4;
	s19 =	sadd.s32 s19, s20  }
0x4d: {  	s28 =	sand.u32 $0x7F, s14;
	v58 =	vld.idx.msk [tilespmem:v1+s17+$0xFFFFFFD0 ss:$0x1], $0xffff;
	[tilespmem:v0+s18+$0xFFFFFFD0 ss:$0x1] =	vst.idx.msk $0xffff, v2;
	s15 =	sor.u32 s15, s19  }
0x4e: {  	v59 =	vld.idx.msk [tilespmem:v1+s17+$0xFFFFFFE0 ss:$0x1], $0xffff;
	[tilespmem:v0+s18+$0xFFFFFFE0 ss:$0x1] =	vst.idx.msk $0xffff, v3;
	s14 =	sor.u32 s28, s15;
	s15 =	smulhi.u32 $0xAAAAAAAB, s15  }
0x4f: {  	v60 =	vld.idx.msk [tilespmem:v1+s17+$0xFFFFFFF0 ss:$0x1], $0xffff;
	[tilespmem:v0+s18+$0xFFFFFFF0 ss:$0x1] =	vst.idx.msk $0xffff, v6;
	s29 =	smulhi.u32 $0xAAAAAAAB, s14  }
0x50: {  	v61 =	vld.idx.msk [tilespmem:v1+s17+$0x0 ss:$0x1], $0xffff;
	s13 =	smul.u32 $0x18000, s13;
	[tilespmem:v0+s17+$0x0 ss:$0x1] =	vst.idx.msk $0xffff, v56  }
0x51: {  	v62 =	vld.idx.msk [tilespmem:v1+s17+$0x10 ss:$0x1], $0xffff;
	s12 =	smul.u32 $0x300, s12;
	[tilespmem:v0+s17+$0xFFFFFF90 ss:$0x1] =	vst.idx.msk $0xffff, v57;
	s15 =	sshrl.u32 s15, $0x9;
	s30 =	sshrl.u32 s29, $0x9  }
0x52: {  	v63 =	vld.idx.msk [tilespmem:v1+s17+$0x20 ss:$0x1], $0xffff;
	[tilespmem:v0+s17+$0xFFFFFFA0 ss:$0x1] =	vst.idx.msk $0xffff, v58;
	s15 =	sand.u32 $0x7, s15;
	s18 =	smul.u32 $0x300, s30  }
0x53: {  	[tilespmem:v0+s17+$0xFFFFFFB0 ss:$0x1] =	vst.idx.msk $0xffff, v59;
	s15 =	smul.u32 $0x60, s15  }
.Ltmp4:
0x54: {  	s13 =	sadd.s32 s3, s13;
	[tilespmem:v0+s17+$0xFFFFFFC0 ss:$0x1] =	vst.idx.msk $0xffff, v60;
	s14 =	ssub.s32 s14, s18;
	(pc) =	sbr.rel .LBB1_5-.Ltmp4, $4  }
0x55: {  	s12 =	sadd.s32 s12, s13;
	[tilespmem:v0+s17+$0xFFFFFFD0 ss:$0x1] =	vst.idx.msk $0xffff, v61;
	s31 =	sand.u32 $0x7, s14  }
0x56: {  	[tilespmem:v0+s17+$0xFFFFFFE0 ss:$0x1] =	vst.idx.msk $0xffff, v62;
	s12 =	sadd.s32 s15, s12;
	s14 =	sshrl.u32 s14, $0x3;
	s13 =	sshll.u32 s31, $0x12  }
0x57: {  	[tilespmem:v0+s17+$0xFFFFFFF0 ss:$0x1] =	vst.idx.msk $0xffff, v63;
	s12 =	sadd.s32 s14, s12;
	s13 =	sor.u32 $0x80, s13  }
0x58: {  	[hbm4b:s12+s13] =	stream.strided.scatter [tilespmem:s16], [sflag:$0x2], $0x4000, s6, s13, $0x38;
	[tilespmem:$0x10000] =	vst v63  }
.LBB1_6:
0x59: {  	_ =	sfence.sel $0x180000  }
0x5a: {  	s2 =	simm.s32 $0x1;
	[bflag:$0x0] =	sbarrier.arrive $0xFFFF  }
0x5b: {  	s31 =	simm.s32 $0x2;
	[sflag:s2] =	ssyncpa.u1 $0x1  }
0x5c: {  	[sflag:s31] =	ssyncpa.u1 $0x1  }
0x5d: {  	p0 =	sne.s32 s1, $0x0;
	_ =	strace $0x90000047  }
0x5e: {  	s0 =	sadd.s32 @!p0 $0x100000, s0;
	[bflag:$0x2] =	sbarrier.arrive $0xFFFF  }
0x5f: {  	[sflag:s0] =	ssyncadd.tile.s32 @!p0 $0x1;
	_ =	shalt  }
.Lfunc_end1:
_tile_overlayer_lowered:
.L_overlay_start_2:
0x60: {  	(tag) =	ssettag $0x2  }
0x61: {  	s0 =	rddreg [dreg:$0x0];
	s2 =	stileid.u32  }
0x62: {  	s1 =	rddreg [dreg:$0x1];
	p0 =	sne.s32 s2, $0x0  }
0x63: {  	s3 =	rddreg [dreg:$0x2];
	[bflag:$0x3] =	sbarrier.arrive $0xFFFF;
	s2 =	simm.s32 @!p0 $0x1C01  }
0x64: {  	[timem:s3], [sflag:s2] =	dma.local @!p0 [hbm:s0], s1  }
0x65: {  	s0 =	simm.s32 @!p0 $0x1  }
0x66: {  	_ =	swait.ge @!p0 [sflag:s0], s1  }
0x67: {  	s1 =	ssub.s32 @!p0 $0x0, s1;
	[sflag:s0] =	ssyncset.done @!p0 $0x0  }
0x68: {  	[sflag:s0] =	ssyncadd.s32 @!p0 s1  }
0x69: {  	[bflag:$0x3] =	sbarrier.arrive $0xFFFF  }
0x6a: {  	_ =	shalt  }

</sc_bundles>
